<compile_context>
chip_gen: v7x
topology: tpu7x:2x2x1
jax: 0.10.2.dev20260603
libtpu: 0.0.44.dev20260713+nightly
codegen_flags: <defaults>
</compile_context>

<pallas_src>
import functools

import jax
import jax.numpy as jnp
from jax import lax
from jax.experimental import pallas as pl
from jax.experimental.pallas import tpu as pltpu
from jax.experimental.pallas import tpu_sc as plsc

B, T, D = 4, 8192, 768
NC, NS = 2, 16
NW = NC * NS
T_PER_W = T // NW
TW = 32
N_CHUNK = T_PER_W // TW
CHUNK = TW * D
N_G = CHUNK // 16
UNROLL = 8
NBUF = 3
STEPS = (N_CHUNK * B) // 8

_mesh = plsc.VectorSubcoreMesh(core_axis_name="c", subcore_axis_name="s")


@functools.partial(
    pl.kernel,
    mesh=_mesh,
    out_type=jax.ShapeDtypeStruct((B * T * D,), jnp.float32),
    scratch_types=[
        pltpu.VMEM((CHUNK,), jnp.float32),
        pltpu.VMEM((CHUNK,), jnp.float32),
        pltpu.VMEM((CHUNK,), jnp.float32),
        pltpu.VMEM((CHUNK,), jnp.float32),
        pltpu.SemaphoreType.DMA,
        pltpu.SemaphoreType.DMA,
        pltpu.SemaphoreType.DMA,
        pltpu.SemaphoreType.DMA,
        pltpu.SemaphoreType.DMA,
        pltpu.SemaphoreType.DMA,
        pltpu.SemaphoreType.DMA,
    ],
)
def _sc_add(x_hbm, p_hbm, out_hbm, p_v, xb0, xb1, xb2,
            psem, l0, l1, l2, s0, s1, s2):
    xb = (xb0, xb1, xb2)
    lsem = (l0, l1, l2)
    ssem = (s0, s1, s2)
    c = lax.axis_index("c")
    s = lax.axis_index("s")
    wid = s * NC + c
    t_base = wid * T_PER_W

    def x_off(step):
        ci, b = step // B, step % B
        return (b * T + t_base + ci * TW) * D

    lh = [None] * STEPS
    sh = [None] * STEPS
    ph = None

    lh[0] = pltpu.async_copy(x_hbm.at[pl.ds(x_off(0), CHUNK)], xb[0], lsem[0])

    for step in range(STEPS):
        k = step % NBUF
        b = step % B
        if b == 0:
            t0 = t_base + (step // B) * TW
            ph = pltpu.async_copy(p_hbm.at[pl.ds(t0 * D, CHUNK)], p_v, psem)
        nxt = step + 1
        if nxt < STEPS:
            k1 = nxt % NBUF
            if nxt >= NBUF:
                sh[nxt - NBUF].wait()
            lh[nxt] = pltpu.async_copy(
                x_hbm.at[pl.ds(x_off(nxt), CHUNK)], xb[k1], lsem[k1])
        lh[step].wait()
        if b == 0:
            ph.wait()

        def body(j, carry, k=k):
            base = j * (16 * UNROLL)
            for u in range(UNROLL):
                off = base + u * 16
                plsc.addupdate(xb[k].at[pl.ds(off, 16)], p_v[pl.ds(off, 16)])
            return carry

        lax.fori_loop(0, N_G // UNROLL, body, 0)
        sh[step] = pltpu.async_copy(
            xb[k], out_hbm.at[pl.ds(x_off(step), CHUNK)], ssem[k])

    for step in range(STEPS - NBUF, STEPS):
        sh[step].wait()


def kernel(encoded_tokens, pos_table):
    b, t, d = encoded_tokens.shape
    x = encoded_tokens.reshape(b * t * d)
    p = pos_table.reshape(t * d)
    out = _sc_add(x, p)
    return out.reshape(b, t, d)

# --- scband reference (transcript-rebuilt; emitter-appended) ---
"""Pipeline reference for scband-positional-encoder-8899172238088 (READ-ONLY COPY).

The authoritative reference and input builder live on the scoring server;
editing this copy changes nothing except your own understanding.
"""

import jax, jax.numpy as jnp
import numpy as np

B, T, D = 4, 8192, 768

def setup_inputs(seed: int = 0) -> dict:
    key = jax.random.key(seed)
    k1, k2 = jax.random.split(key)
    encoded_tokens = jax.random.normal(k1, (B, T, D), dtype=jnp.float32)
    # learned positional embedding table, keras Embedding default init ~ uniform(-0.05, 0.05)
    pos_table = jax.random.uniform(k2, (T, D), dtype=jnp.float32, minval=-0.05, maxval=0.05)
    return {"encoded_tokens": encoded_tokens, "pos_table": pos_table}

def reference(encoded_tokens, pos_table):
    positions = jnp.arange(0, encoded_tokens.shape[1], 1)
    encoded_positions = jnp.take(pos_table, positions, axis=0)  # embedding gather
    return encoded_tokens + encoded_positions[None, :, :]

if __name__ == "__main__":
    import jax
    _d = setup_inputs()
    print(jax.jit(kernel)(*tuple(_d.values())))

</pallas_src>

<mosaic_0001>
#map = affine_map<(d0, d1) -> (0)>
module attributes {stable_mosaic.version = 14 : i64} {
  func.func @_sc_add(%arg0: i32, %arg1: i32, %arg2: memref<25165824xf32, #tpu.memory_space<hbm>>, %arg3: memref<6291456xf32, #tpu.memory_space<hbm>>, %arg4: memref<25165824xf32, #tpu.memory_space<hbm>>, %arg5: memref<24576xf32, #tpu.memory_space<vmem>>, %arg6: memref<24576xf32, #tpu.memory_space<vmem>>, %arg7: memref<24576xf32, #tpu.memory_space<vmem>>, %arg8: memref<24576xf32, #tpu.memory_space<vmem>>, %arg9: memref<!tpu.dma_semaphore, #tpu.memory_space<semaphore_mem>>, %arg10: memref<!tpu.dma_semaphore, #tpu.memory_space<semaphore_mem>>, %arg11: memref<!tpu.dma_semaphore, #tpu.memory_space<semaphore_mem>>, %arg12: memref<!tpu.dma_semaphore, #tpu.memory_space<semaphore_mem>>, %arg13: memref<!tpu.dma_semaphore, #tpu.memory_space<semaphore_mem>>, %arg14: memref<!tpu.dma_semaphore, #tpu.memory_space<semaphore_mem>>, %arg15: memref<!tpu.dma_semaphore, #tpu.memory_space<semaphore_mem>>) attributes {dimension_semantics = [#tpu.dimension_semantics<core_parallel>, #tpu.dimension_semantics<subcore_parallel>], iteration_bounds = array<i64: 2, 16>, scalar_prefetch = 0 : i64, scratch_operands = 11 : i64, tpu.core_type = #tpu.core_type<sc_vector_subcore>, window_params = [{transform_indices = #map}, {transform_indices = #map}, {transform_indices = #map}]} {
    %mul3A = arith.constant 2 : i32
    %mul3A_0 = arith.muli %arg1, %mul3A : i32
    %add3A = arith.addi %mul3A_0, %arg0 : i32
    %mul3A_1 = arith.constant 256 : i32
    %mul3A_2 = arith.muli %add3A, %mul3A_1 : i32
    %add3A_3 = arith.constant 0 : i32
    %add3A_4 = arith.addi %add3A_3, %mul3A_2 : i32
    %add3A_5 = arith.constant 0 : i32
    %add3A_6 = arith.addi %add3A_4, %add3A_5 : i32
    %mul3A_7 = arith.constant 768 : i32
    %mul3A_8 = arith.muli %add3A_6, %mul3A_7 : i32
    %dma_start3A = tpu.memref_slice %arg2[%mul3A_8] : memref<25165824xf32, #tpu.memory_space<hbm>> -> memref<24576xf32, #tpu.memory_space<hbm>>
    %dma_start3A_9 = tpu.memref_slice %arg2[%mul3A_8] : memref<25165824xf32, #tpu.memory_space<hbm>> -> memref<24576xf32, #tpu.memory_space<hbm>>
    tpu.enqueue_dma source(%dma_start3A_9 : memref<24576xf32, #tpu.memory_space<hbm>>) target(%arg6 : memref<24576xf32, #tpu.memory_space<vmem>>) target_semaphore(%arg10 : memref<!tpu.dma_semaphore, #tpu.memory_space<semaphore_mem>>)
    %add3A_10 = arith.constant 0 : i32
    %add3A_11 = arith.addi %mul3A_2, %add3A_10 : i32
    %mul3A_12 = arith.constant 768 : i32
    %mul3A_13 = arith.muli %add3A_11, %mul3A_12 : i32
    %dma_start3A_14 = tpu.memref_slice %arg3[%mul3A_13] : memref<6291456xf32, #tpu.memory_space<hbm>> -> memref<24576xf32, #tpu.memory_space<hbm>>
    %dma_start3A_15 = tpu.memref_slice %arg3[%mul3A_13] : memref<6291456xf32, #tpu.memory_space<hbm>> -> memref<24576xf32, #tpu.memory_space<hbm>>
    tpu.enqueue_dma source(%dma_start3A_15 : memref<24576xf32, #tpu.memory_space<hbm>>) target(%arg5 : memref<24576xf32, #tpu.memory_space<vmem>>) target_semaphore(%arg9 : memref<!tpu.dma_semaphore, #tpu.memory_space<semaphore_mem>>)
    %add3A_16 = arith.constant 8192 : i32
    %add3A_17 = arith.addi %add3A_16, %mul3A_2 : i32
    %add3A_18 = arith.constant 0 : i32
    %add3A_19 = arith.addi %add3A_17, %add3A_18 : i32
    %mul3A_20 = arith.constant 768 : i32
    %mul3A_21 = arith.muli %add3A_19, %mul3A_20 : i32
    %dma_start3A_22 = tpu.memref_slice %arg2[%mul3A_21] : memref<25165824xf32, #tpu.memory_space<hbm>> -> memref<24576xf32, #tpu.memory_space<hbm>>
    %dma_start3A_23 = tpu.memref_slice %arg2[%mul3A_21] : memref<25165824xf32, #tpu.memory_space<hbm>> -> memref<24576xf32, #tpu.memory_space<hbm>>
    tpu.enqueue_dma source(%dma_start3A_23 : memref<24576xf32, #tpu.memory_space<hbm>>) target(%arg7 : memref<24576xf32, #tpu.memory_space<vmem>>) target_semaphore(%arg11 : memref<!tpu.dma_semaphore, #tpu.memory_space<semaphore_mem>>)
    %dma_wait3A = tpu.memref_slice %arg2[%mul3A_8] : memref<25165824xf32, #tpu.memory_space<hbm>> -> memref<24576xf32, #tpu.memory_space<hbm>>
    %dma_wait3A_24 = tpu.memref_slice %arg2[%mul3A_8] : memref<25165824xf32, #tpu.memory_space<hbm>> -> memref<24576xf32, #tpu.memory_space<hbm>>
    tpu.wait_dma2 semaphore(%arg10 : memref<!tpu.dma_semaphore, #tpu.memory_space<semaphore_mem>>) src(%dma_wait3A_24 : memref<24576xf32, #tpu.memory_space<hbm>>) dst(%arg6 : memref<24576xf32, #tpu.memory_space<vmem>>)
    %dma_wait3A_25 = tpu.memref_slice %arg3[%mul3A_13] : memref<6291456xf32, #tpu.memory_space<hbm>> -> memref<24576xf32, #tpu.memory_space<hbm>>
    %dma_wait3A_26 = tpu.memref_slice %arg3[%mul3A_13] : memref<6291456xf32, #tpu.memory_space<hbm>> -> memref<24576xf32, #tpu.memory_space<hbm>>
    tpu.wait_dma2 semaphore(%arg9 : memref<!tpu.dma_semaphore, #tpu.memory_space<semaphore_mem>>) src(%dma_wait3A_26 : memref<24576xf32, #tpu.memory_space<hbm>>) dst(%arg5 : memref<24576xf32, #tpu.memory_space<vmem>>)
    %scan3A = arith.constant 0 : i32
    %scan3A_27 = arith.constant 0 : i32
    %scan3A_28 = arith.constant 192 : i32
    %scan3A_29 = arith.addi %scan3A_27, %scan3A_28 : i32
    %scan3A_30 = arith.constant 1 : i32
    scf.for %scan3A_112 = %scan3A_27 to %scan3A_29 step %scan3A_30  : i32 {
      %mul3A_113 = arith.constant 128 : i32
      %mul3A_114 = arith.muli %scan3A_112, %mul3A_113 : i32
      %add3A_115 = arith.constant 0 : i32
      %add3A_116 = arith.addi %mul3A_114, %add3A_115 : i32
      %get3A = arith.index_cast %add3A_116 : i32 to index
      %get3A_117 = tpu.vector_load %arg5[%get3A] {strides = array<i32>} : memref<24576xf32, #tpu.memory_space<vmem>>, vector<16xf32>,
      %get3A_118 = vector.shape_cast %get3A_117 : vector<16xf32> to vector<16xf32>
      %swap3A = arith.index_cast %add3A_116 : i32 to index
      %swap3A_119 = tpu.vector_load %arg6[%swap3A] {strides = array<i32>} : memref<24576xf32, #tpu.memory_space<vmem>>, vector<16xf32>,
      %swap3A_120 = vector.shape_cast %swap3A_119 : vector<16xf32> to vector<16xf32>
      %swap3A_121 = vector.shape_cast %get3A_118 : vector<16xf32> to vector<16xf32>
      tpu.vector_store %arg6[%swap3A], %swap3A_121 {add = true, strides = array<i32>} : memref<24576xf32, #tpu.memory_space<vmem>>, vector<16xf32>,
      %add3A_122 = arith.constant 16 : i32
      %add3A_123 = arith.addi %mul3A_114, %add3A_122 : i32
      %get3A_124 = arith.index_cast %add3A_123 : i32 to index
      %get3A_125 = tpu.vector_load %arg5[%get3A_124] {strides = array<i32>} : memref<24576xf32, #tpu.memory_space<vmem>>, vector<16xf32>,
      %get3A_126 = vector.shape_cast %get3A_125 : vector<16xf32> to vector<16xf32>
      %swap3A_127 = arith.index_cast %add3A_123 : i32 to index
      %swap3A_128 = tpu.vector_load %arg6[%swap3A_127] {strides = array<i32>} : memref<24576xf32, #tpu.memory_space<vmem>>, vector<16xf32>,
      %swap3A_129 = vector.shape_cast %swap3A_128 : vector<16xf32> to vector<16xf32>
      %swap3A_130 = vector.shape_cast %get3A_126 : vector<16xf32> to vector<16xf32>
      tpu.vector_store %arg6[%swap3A_127], %swap3A_130 {add = true, strides = array<i32>} : memref<24576xf32, #tpu.memory_space<vmem>>, vector<16xf32>,
      %add3A_131 = arith.constant 32 : i32
      %add3A_132 = arith.addi %mul3A_114, %add3A_131 : i32
      %get3A_133 = arith.index_cast %add3A_132 : i32 to index
      %get3A_134 = tpu.vector_load %arg5[%get3A_133] {strides = array<i32>} : memref<24576xf32, #tpu.memory_space<vmem>>, vector<16xf32>,
      %get3A_135 = vector.shape_cast %get3A_134 : vector<16xf32> to vector<16xf32>
      %swap3A_136 = arith.index_cast %add3A_132 : i32 to index
      %swap3A_137 = tpu.vector_load %arg6[%swap3A_136] {strides = array<i32>} : memref<24576xf32, #tpu.memory_space<vmem>>, vector<16xf32>,
      %swap3A_138 = vector.shape_cast %swap3A_137 : vector<16xf32> to vector<16xf32>
      %swap3A_139 = vector.shape_cast %get3A_135 : vector<16xf32> to vector<16xf32>
      tpu.vector_store %arg6[%swap3A_136], %swap3A_139 {add = true, strides = array<i32>} : memref<24576xf32, #tpu.memory_space<vmem>>, vector<16xf32>,
      %add3A_140 = arith.constant 48 : i32
      %add3A_141 = arith.addi %mul3A_114, %add3A_140 : i32
      %get3A_142 = arith.index_cast %add3A_141 : i32 to index
      %get3A_143 = tpu.vector_load %arg5[%get3A_142] {strides = array<i32>} : memref<24576xf32, #tpu.memory_space<vmem>>, vector<16xf32>,
      %get3A_144 = vector.shape_cast %get3A_143 : vector<16xf32> to vector<16xf32>
      %swap3A_145 = arith.index_cast %add3A_141 : i32 to index
      %swap3A_146 = tpu.vector_load %arg6[%swap3A_145] {strides = array<i32>} : memref<24576xf32, #tpu.memory_space<vmem>>, vector<16xf32>,
      %swap3A_147 = vector.shape_cast %swap3A_146 : vector<16xf32> to vector<16xf32>
      %swap3A_148 = vector.shape_cast %get3A_144 : vector<16xf32> to vector<16xf32>
      tpu.vector_store %arg6[%swap3A_145], %swap3A_148 {add = true, strides = array<i32>} : memref<24576xf32, #tpu.memory_space<vmem>>, vector<16xf32>,
      %add3A_149 = arith.constant 64 : i32
      %add3A_150 = arith.addi %mul3A_114, %add3A_149 : i32
      %get3A_151 = arith.index_cast %add3A_150 : i32 to index
      %get3A_152 = tpu.vector_load %arg5[%get3A_151] {strides = array<i32>} : memref<24576xf32, #tpu.memory_space<vmem>>, vector<16xf32>,
      %get3A_153 = vector.shape_cast %get3A_152 : vector<16xf32> to vector<16xf32>
      %swap3A_154 = arith.index_cast %add3A_150 : i32 to index
      %swap3A_155 = tpu.vector_load %arg6[%swap3A_154] {strides = array<i32>} : memref<24576xf32, #tpu.memory_space<vmem>>, vector<16xf32>,
      %swap3A_156 = vector.shape_cast %swap3A_155 : vector<16xf32> to vector<16xf32>
      %swap3A_157 = vector.shape_cast %get3A_153 : vector<16xf32> to vector<16xf32>
      tpu.vector_store %arg6[%swap3A_154], %swap3A_157 {add = true, strides = array<i32>} : memref<24576xf32, #tpu.memory_space<vmem>>, vector<16xf32>,
      %add3A_158 = arith.constant 80 : i32
      %add3A_159 = arith.addi %mul3A_114, %add3A_158 : i32
      %get3A_160 = arith.index_cast %add3A_159 : i32 to index
      %get3A_161 = tpu.vector_load %arg5[%get3A_160] {strides = array<i32>} : memref<24576xf32, #tpu.memory_space<vmem>>, vector<16xf32>,
      %get3A_162 = vector.shape_cast %get3A_161 : vector<16xf32> to vector<16xf32>
      %swap3A_163 = arith.index_cast %add3A_159 : i32 to index
      %swap3A_164 = tpu.vector_load %arg6[%swap3A_163] {strides = array<i32>} : memref<24576xf32, #tpu.memory_space<vmem>>, vector<16xf32>,
      %swap3A_165 = vector.shape_cast %swap3A_164 : vector<16xf32> to vector<16xf32>
      %swap3A_166 = vector.shape_cast %get3A_162 : vector<16xf32> to vector<16xf32>
      tpu.vector_store %arg6[%swap3A_163], %swap3A_166 {add = true, strides = array<i32>} : memref<24576xf32, #tpu.memory_space<vmem>>, vector<16xf32>,
      %add3A_167 = arith.constant 96 : i32
      %add3A_168 = arith.addi %mul3A_114, %add3A_167 : i32
      %get3A_169 = arith.index_cast %add3A_168 : i32 to index
      %get3A_170 = tpu.vector_load %arg5[%get3A_169] {strides = array<i32>} : memref<24576xf32, #tpu.memory_space<vmem>>, vector<16xf32>,
      %get3A_171 = vector.shape_cast %get3A_170 : vector<16xf32> to vector<16xf32>
      %swap3A_172 = arith.index_cast %add3A_168 : i32 to index
      %swap3A_173 = tpu.vector_load %arg6[%swap3A_172] {strides = array<i32>} : memref<24576xf32, #tpu.memory_space<vmem>>, vector<16xf32>,
      %swap3A_174 = vector.shape_cast %swap3A_173 : vector<16xf32> to vector<16xf32>
      %swap3A_175 = vector.shape_cast %get3A_171 : vector<16xf32> to vector<16xf32>
      tpu.vector_store %arg6[%swap3A_172], %swap3A_175 {add = true, strides = array<i32>} : memref<24576xf32, #tpu.memory_space<vmem>>, vector<16xf32>,
      %add3A_176 = arith.constant 112 : i32
      %add3A_177 = arith.addi %mul3A_114, %add3A_176 : i32
      %get3A_178 = arith.index_cast %add3A_177 : i32 to index
      %get3A_179 = tpu.vector_load %arg5[%get3A_178] {strides = array<i32>} : memref<24576xf32, #tpu.memory_space<vmem>>, vector<16xf32>,
      %get3A_180 = vector.shape_cast %get3A_179 : vector<16xf32> to vector<16xf32>
      %swap3A_181 = arith.index_cast %add3A_177 : i32 to index
      %swap3A_182 = tpu.vector_load %arg6[%swap3A_181] {strides = array<i32>} : memref<24576xf32, #tpu.memory_space<vmem>>, vector<16xf32>,
      %swap3A_183 = vector.shape_cast %swap3A_182 : vector<16xf32> to vector<16xf32>
      %swap3A_184 = vector.shape_cast %get3A_180 : vector<16xf32> to vector<16xf32>
      tpu.vector_store %arg6[%swap3A_181], %swap3A_184 {add = true, strides = array<i32>} : memref<24576xf32, #tpu.memory_space<vmem>>, vector<16xf32>,
    }
    %scan3A_31 = arith.constant 192 : i32
    %add3A_32 = arith.constant 0 : i32
    %add3A_33 = arith.addi %add3A_32, %mul3A_2 : i32
    %add3A_34 = arith.constant 0 : i32
    %add3A_35 = arith.addi %add3A_33, %add3A_34 : i32
    %mul3A_36 = arith.constant 768 : i32
    %mul3A_37 = arith.muli %add3A_35, %mul3A_36 : i32
    %dma_start3A_38 = tpu.memref_slice %arg4[%mul3A_37] : memref<25165824xf32, #tpu.memory_space<hbm>> -> memref<24576xf32, #tpu.memory_space<hbm>>
    %dma_start3A_39 = tpu.memref_slice %arg4[%mul3A_37] : memref<25165824xf32, #tpu.memory_space<hbm>> -> memref<24576xf32, #tpu.memory_space<hbm>>
    tpu.enqueue_dma source(%arg6 : memref<24576xf32, #tpu.memory_space<vmem>>) target(%dma_start3A_39 : memref<24576xf32, #tpu.memory_space<hbm>>) target_semaphore(%arg13 : memref<!tpu.dma_semaphore, #tpu.memory_space<semaphore_mem>>)
    %add3A_40 = arith.constant 16384 : i32
    %add3A_41 = arith.addi %add3A_40, %mul3A_2 : i32
    %add3A_42 = arith.constant 0 : i32
    %add3A_43 = arith.addi %add3A_41, %add3A_42 : i32
    %mul3A_44 = arith.constant 768 : i32
    %mul3A_45 = arith.muli %add3A_43, %mul3A_44 : i32
    %dma_start3A_46 = tpu.memref_slice %arg2[%mul3A_45] : memref<25165824xf32, #tpu.memory_space<hbm>> -> memref<24576xf32, #tpu.memory_space<hbm>>
    %dma_start3A_47 = tpu.memref_slice %arg2[%mul3A_45] : memref<25165824xf32, #tpu.memory_space<hbm>> -> memref<24576xf32, #tpu.memory_space<hbm>>
    tpu.enqueue_dma source(%dma_start3A_47 : memref<24576xf32, #tpu.memory_space<hbm>>) target(%arg8 : memref<24576xf32, #tpu.memory_space<vmem>>) target_semaphore(%arg12 : memref<!tpu.dma_semaphore, #tpu.memory_space<semaphore_mem>>)
    %dma_wait3A_48 = tpu.memref_slice %arg2[%mul3A_21] : memref<25165824xf32, #tpu.memory_space<hbm>> -> memref<24576xf32, #tpu.memory_space<hbm>>
    %dma_wait3A_49 = tpu.memref_slice %arg2[%mul3A_21] : memref<25165824xf32, #tpu.memory_space<hbm>> -> memref<24576xf32, #tpu.memory_space<hbm>>
    tpu.wait_dma2 semaphore(%arg11 : memref<!tpu.dma_semaphore, #tpu.memory_space<semaphore_mem>>) src(%dma_wait3A_49 : memref<24576xf32, #tpu.memory_space<hbm>>) dst(%arg7 : memref<24576xf32, #tpu.memory_space<vmem>>)
    %scan3A_50 = arith.constant 0 : i32
    %scan3A_51 = arith.constant 0 : i32
    %scan3A_52 = arith.constant 192 : i32
    %scan3A_53 = arith.addi %scan3A_51, %scan3A_52 : i32
    %scan3A_54 = arith.constant 1 : i32
    scf.for %scan3A_112 = %scan3A_51 to %scan3A_53 step %scan3A_54  : i32 {
      %mul3A_113 = arith.constant 128 : i32
      %mul3A_114 = arith.muli %scan3A_112, %mul3A_113 : i32
      %add3A_115 = arith.constant 0 : i32
      %add3A_116 = arith.addi %mul3A_114, %add3A_115 : i32
      %get3A = arith.index_cast %add3A_116 : i32 to index
      %get3A_117 = tpu.vector_load %arg5[%get3A] {strides = array<i32>} : memref<24576xf32, #tpu.memory_space<vmem>>, vector<16xf32>,
      %get3A_118 = vector.shape_cast %get3A_117 : vector<16xf32> to vector<16xf32>
      %swap3A = arith.index_cast %add3A_116 : i32 to index
      %swap3A_119 = tpu.vector_load %arg7[%swap3A] {strides = array<i32>} : memref<24576xf32, #tpu.memory_space<vmem>>, vector<16xf32>,
      %swap3A_120 = vector.shape_cast %swap3A_119 : vector<16xf32> to vector<16xf32>
      %swap3A_121 = vector.shape_cast %get3A_118 : vector<16xf32> to vector<16xf32>
      tpu.vector_store %arg7[%swap3A], %swap3A_121 {add = true, strides = array<i32>} : memref<24576xf32, #tpu.memory_space<vmem>>, vector<16xf32>,
      %add3A_122 = arith.constant 16 : i32
      %add3A_123 = arith.addi %mul3A_114, %add3A_122 : i32
      %get3A_124 = arith.index_cast %add3A_123 : i32 to index
      %get3A_125 = tpu.vector_load %arg5[%get3A_124] {strides = array<i32>} : memref<24576xf32, #tpu.memory_space<vmem>>, vector<16xf32>,
      %get3A_126 = vector.shape_cast %get3A_125 : vector<16xf32> to vector<16xf32>
      %swap3A_127 = arith.index_cast %add3A_123 : i32 to index
      %swap3A_128 = tpu.vector_load %arg7[%swap3A_127] {strides = array<i32>} : memref<24576xf32, #tpu.memory_space<vmem>>, vector<16xf32>,
      %swap3A_129 = vector.shape_cast %swap3A_128 : vector<16xf32> to vector<16xf32>
      %swap3A_130 = vector.shape_cast %get3A_126 : vector<16xf32> to vector<16xf32>
      tpu.vector_store %arg7[%swap3A_127], %swap3A_130 {add = true, strides = array<i32>} : memref<24576xf32, #tpu.memory_space<vmem>>, vector<16xf32>,
      %add3A_131 = arith.constant 32 : i32
      %add3A_132 = arith.addi %mul3A_114, %add3A_131 : i32
      %get3A_133 = arith.index_cast %add3A_132 : i32 to index
      %get3A_134 = tpu.vector_load %arg5[%get3A_133] {strides = array<i32>} : memref<24576xf32, #tpu.memory_space<vmem>>, vector<16xf32>,
      %get3A_135 = vector.shape_cast %get3A_134 : vector<16xf32> to vector<16xf32>
      %swap3A_136 = arith.index_cast %add3A_132 : i32 to index
      %swap3A_137 = tpu.vector_load %arg7[%swap3A_136] {strides = array<i32>} : memref<24576xf32, #tpu.memory_space<vmem>>, vector<16xf32>,
      %swap3A_138 = vector.shape_cast %swap3A_137 : vector<16xf32> to vector<16xf32>
      %swap3A_139 = vector.shape_cast %get3A_135 : vector<16xf32> to vector<16xf32>
      tpu.vector_store %arg7[%swap3A_136], %swap3A_139 {add = true, strides = array<i32>} : memref<24576xf32, #tpu.memory_space<vmem>>, vector<16xf32>,
      %add3A_140 = arith.constant 48 : i32
      %add3A_141 = arith.addi %mul3A_114, %add3A_140 : i32
      %get3A_142 = arith.index_cast %add3A_141 : i32 to index
      %get3A_143 = tpu.vector_load %arg5[%get3A_142] {strides = array<i32>} : memref<24576xf32, #tpu.memory_space<vmem>>, vector<16xf32>,
      %get3A_144 = vector.shape_cast %get3A_143 : vector<16xf32> to vector<16xf32>
      %swap3A_145 = arith.index_cast %add3A_141 : i32 to index
      %swap3A_146 = tpu.vector_load %arg7[%swap3A_145] {strides = array<i32>} : memref<24576xf32, #tpu.memory_space<vmem>>, vector<16xf32>,
      %swap3A_147 = vector.shape_cast %swap3A_146 : vector<16xf32> to vector<16xf32>
      %swap3A_148 = vector.shape_cast %get3A_144 : vector<16xf32> to vector<16xf32>
      tpu.vector_store %arg7[%swap3A_145], %swap3A_148 {add = true, strides = array<i32>} : memref<24576xf32, #tpu.memory_space<vmem>>, vector<16xf32>,
      %add3A_149 = arith.constant 64 : i32
      %add3A_150 = arith.addi %mul3A_114, %add3A_149 : i32
      %get3A_151 = arith.index_cast %add3A_150 : i32 to index
      %get3A_152 = tpu.vector_load %arg5[%get3A_151] {strides = array<i32>} : memref<24576xf32, #tpu.memory_space<vmem>>, vector<16xf32>,
      %get3A_153 = vector.shape_cast %get3A_152 : vector<16xf32> to vector<16xf32>
      %swap3A_154 = arith.index_cast %add3A_150 : i32 to index
      %swap3A_155 = tpu.vector_load %arg7[%swap3A_154] {strides = array<i32>} : memref<24576xf32, #tpu.memory_space<vmem>>, vector<16xf32>,
      %swap3A_156 = vector.shape_cast %swap3A_155 : vector<16xf32> to vector<16xf32>
      %swap3A_157 = vector.shape_cast %get3A_153 : vector<16xf32> to vector<16xf32>
      tpu.vector_store %arg7[%swap3A_154], %swap3A_157 {add = true, strides = array<i32>} : memref<24576xf32, #tpu.memory_space<vmem>>, vector<16xf32>,
      %add3A_158 = arith.constant 80 : i32
      %add3A_159 = arith.addi %mul3A_114, %add3A_158 : i32
      %get3A_160 = arith.index_cast %add3A_159 : i32 to index
      %get3A_161 = tpu.vector_load %arg5[%get3A_160] {strides = array<i32>} : memref<24576xf32, #tpu.memory_space<vmem>>, vector<16xf32>,
      %get3A_162 = vector.shape_cast %get3A_161 : vector<16xf32> to vector<16xf32>
      %swap3A_163 = arith.index_cast %add3A_159 : i32 to index
      %swap3A_164 = tpu.vector_load %arg7[%swap3A_163] {strides = array<i32>} : memref<24576xf32, #tpu.memory_space<vmem>>, vector<16xf32>,
      %swap3A_165 = vector.shape_cast %swap3A_164 : vector<16xf32> to vector<16xf32>
      %swap3A_166 = vector.shape_cast %get3A_162 : vector<16xf32> to vector<16xf32>
      tpu.vector_store %arg7[%swap3A_163], %swap3A_166 {add = true, strides = array<i32>} : memref<24576xf32, #tpu.memory_space<vmem>>, vector<16xf32>,
      %add3A_167 = arith.constant 96 : i32
      %add3A_168 = arith.addi %mul3A_114, %add3A_167 : i32
      %get3A_169 = arith.index_cast %add3A_168 : i32 to index
      %get3A_170 = tpu.vector_load %arg5[%get3A_169] {strides = array<i32>} : memref<24576xf32, #tpu.memory_space<vmem>>, vector<16xf32>,
      %get3A_171 = vector.shape_cast %get3A_170 : vector<16xf32> to vector<16xf32>
      %swap3A_172 = arith.index_cast %add3A_168 : i32 to index
      %swap3A_173 = tpu.vector_load %arg7[%swap3A_172] {strides = array<i32>} : memref<24576xf32, #tpu.memory_space<vmem>>, vector<16xf32>,
      %swap3A_174 = vector.shape_cast %swap3A_173 : vector<16xf32> to vector<16xf32>
      %swap3A_175 = vector.shape_cast %get3A_171 : vector<16xf32> to vector<16xf32>
      tpu.vector_store %arg7[%swap3A_172], %swap3A_175 {add = true, strides = array<i32>} : memref<24576xf32, #tpu.memory_space<vmem>>, vector<16xf32>,
      %add3A_176 = arith.constant 112 : i32
      %add3A_177 = arith.addi %mul3A_114, %add3A_176 : i32
      %get3A_178 = arith.index_cast %add3A_177 : i32 to index
      %get3A_179 = tpu.vector_load %arg5[%get3A_178] {strides = array<i32>} : memref<24576xf32, #tpu.memory_space<vmem>>, vector<16xf32>,
      %get3A_180 = vector.shape_cast %get3A_179 : vector<16xf32> to vector<16xf32>
      %swap3A_181 = arith.index_cast %add3A_177 : i32 to index
      %swap3A_182 = tpu.vector_load %arg7[%swap3A_181] {strides = array<i32>} : memref<24576xf32, #tpu.memory_space<vmem>>, vector<16xf32>,
      %swap3A_183 = vector.shape_cast %swap3A_182 : vector<16xf32> to vector<16xf32>
      %swap3A_184 = vector.shape_cast %get3A_180 : vector<16xf32> to vector<16xf32>
      tpu.vector_store %arg7[%swap3A_181], %swap3A_184 {add = true, strides = array<i32>} : memref<24576xf32, #tpu.memory_space<vmem>>, vector<16xf32>,
    }
    %scan3A_55 = arith.constant 192 : i32
    %add3A_56 = arith.constant 8192 : i32
    %add3A_57 = arith.addi %add3A_56, %mul3A_2 : i32
    %add3A_58 = arith.constant 0 : i32
    %add3A_59 = arith.addi %add3A_57, %add3A_58 : i32
    %mul3A_60 = arith.constant 768 : i32
    %mul3A_61 = arith.muli %add3A_59, %mul3A_60 : i32
    %dma_start3A_62 = tpu.memref_slice %arg4[%mul3A_61] : memref<25165824xf32, #tpu.memory_space<hbm>> -> memref<24576xf32, #tpu.memory_space<hbm>>
    %dma_start3A_63 = tpu.memref_slice %arg4[%mul3A_61] : memref<25165824xf32, #tpu.memory_space<hbm>> -> memref<24576xf32, #tpu.memory_space<hbm>>
    tpu.enqueue_dma source(%arg7 : memref<24576xf32, #tpu.memory_space<vmem>>) target(%dma_start3A_63 : memref<24576xf32, #tpu.memory_space<hbm>>) target_semaphore(%arg14 : memref<!tpu.dma_semaphore, #tpu.memory_space<semaphore_mem>>)
    %dma_wait3A_64 = tpu.memref_slice %arg4[%mul3A_37] : memref<25165824xf32, #tpu.memory_space<hbm>> -> memref<24576xf32, #tpu.memory_space<hbm>>
    %dma_wait3A_65 = tpu.memref_slice %arg4[%mul3A_37] : memref<25165824xf32, #tpu.memory_space<hbm>> -> memref<24576xf32, #tpu.memory_space<hbm>>
    tpu.wait_dma2 semaphore(%arg13 : memref<!tpu.dma_semaphore, #tpu.memory_space<semaphore_mem>>) src(%arg6 : memref<24576xf32, #tpu.memory_space<vmem>>) dst(%dma_wait3A_65 : memref<24576xf32, #tpu.memory_space<hbm>>)
    %add3A_66 = arith.constant 24576 : i32
    %add3A_67 = arith.addi %add3A_66, %mul3A_2 : i32
    %add3A_68 = arith.constant 0 : i32
    %add3A_69 = arith.addi %add3A_67, %add3A_68 : i32
    %mul3A_70 = arith.constant 768 : i32
    %mul3A_71 = arith.muli %add3A_69, %mul3A_70 : i32
    %dma_start3A_72 = tpu.memref_slice %arg2[%mul3A_71] : memref<25165824xf32, #tpu.memory_space<hbm>> -> memref<24576xf32, #tpu.memory_space<hbm>>
    %dma_start3A_73 = tpu.memref_slice %arg2[%mul3A_71] : memref<25165824xf32, #tpu.memory_space<hbm>> -> memref<24576xf32, #tpu.memory_space<hbm>>
    tpu.enqueue_dma source(%dma_start3A_73 : memref<24576xf32, #tpu.memory_space<hbm>>) target(%arg6 : memref<24576xf32, #tpu.memory_space<vmem>>) target_semaphore(%arg10 : memref<!tpu.dma_semaphore, #tpu.memory_space<semaphore_mem>>)
    %dma_wait3A_74 = tpu.memref_slice %arg2[%mul3A_45] : memref<25165824xf32, #tpu.memory_space<hbm>> -> memref<24576xf32, #tpu.memory_space<hbm>>
    %dma_wait3A_75 = tpu.memref_slice %arg2[%mul3A_45] : memref<25165824xf32, #tpu.memory_space<hbm>> -> memref<24576xf32, #tpu.memory_space<hbm>>
    tpu.wait_dma2 semaphore(%arg12 : memref<!tpu.dma_semaphore, #tpu.memory_space<semaphore_mem>>) src(%dma_wait3A_75 : memref<24576xf32, #tpu.memory_space<hbm>>) dst(%arg8 : memref<24576xf32, #tpu.memory_space<vmem>>)
    %scan3A_76 = arith.constant 0 : i32
    %scan3A_77 = arith.constant 0 : i32
    %scan3A_78 = arith.constant 192 : i32
    %scan3A_79 = arith.addi %scan3A_77, %scan3A_78 : i32
    %scan3A_80 = arith.constant 1 : i32
    scf.for %scan3A_112 = %scan3A_77 to %scan3A_79 step %scan3A_80  : i32 {
      %mul3A_113 = arith.constant 128 : i32
      %mul3A_114 = arith.muli %scan3A_112, %mul3A_113 : i32
      %add3A_115 = arith.constant 0 : i32
      %add3A_116 = arith.addi %mul3A_114, %add3A_115 : i32
      %get3A = arith.index_cast %add3A_116 : i32 to index
      %get3A_117 = tpu.vector_load %arg5[%get3A] {strides = array<i32>} : memref<24576xf32, #tpu.memory_space<vmem>>, vector<16xf32>,
      %get3A_118 = vector.shape_cast %get3A_117 : vector<16xf32> to vector<16xf32>
      %swap3A = arith.index_cast %add3A_116 : i32 to index
      %swap3A_119 = tpu.vector_load %arg8[%swap3A] {strides = array<i32>} : memref<24576xf32, #tpu.memory_space<vmem>>, vector<16xf32>,
      %swap3A_120 = vector.shape_cast %swap3A_119 : vector<16xf32> to vector<16xf32>
      %swap3A_121 = vector.shape_cast %get3A_118 : vector<16xf32> to vector<16xf32>
      tpu.vector_store %arg8[%swap3A], %swap3A_121 {add = true, strides = array<i32>} : memref<24576xf32, #tpu.memory_space<vmem>>, vector<16xf32>,
      %add3A_122 = arith.constant 16 : i32
      %add3A_123 = arith.addi %mul3A_114, %add3A_122 : i32
      %get3A_124 = arith.index_cast %add3A_123 : i32 to index
      %get3A_125 = tpu.vector_load %arg5[%get3A_124] {strides = array<i32>} : memref<24576xf32, #tpu.memory_space<vmem>>, vector<16xf32>,
      %get3A_126 = vector.shape_cast %get3A_125 : vector<16xf32> to vector<16xf32>
      %swap3A_127 = arith.index_cast %add3A_123 : i32 to index
      %swap3A_128 = tpu.vector_load %arg8[%swap3A_127] {strides = array<i32>} : memref<24576xf32, #tpu.memory_space<vmem>>, vector<16xf32>,
      %swap3A_129 = vector.shape_cast %swap3A_128 : vector<16xf32> to vector<16xf32>
      %swap3A_130 = vector.shape_cast %get3A_126 : vector<16xf32> to vector<16xf32>
      tpu.vector_store %arg8[%swap3A_127], %swap3A_130 {add = true, strides = array<i32>} : memref<24576xf32, #tpu.memory_space<vmem>>, vector<16xf32>,
      %add3A_131 = arith.constant 32 : i32
      %add3A_132 = arith.addi %mul3A_114, %add3A_131 : i32
      %get3A_133 = arith.index_cast %add3A_132 : i32 to index
      %get3A_134 = tpu.vector_load %arg5[%get3A_133] {strides = array<i32>} : memref<24576xf32, #tpu.memory_space<vmem>>, vector<16xf32>,
      %get3A_135 = vector.shape_cast %get3A_134 : vector<16xf32> to vector<16xf32>
      %swap3A_136 = arith.index_cast %add3A_132 : i32 to index
      %swap3A_137 = tpu.vector_load %arg8[%swap3A_136] {strides = array<i32>} : memref<24576xf32, #tpu.memory_space<vmem>>, vector<16xf32>,
      %swap3A_138 = vector.shape_cast %swap3A_137 : vector<16xf32> to vector<16xf32>
      %swap3A_139 = vector.shape_cast %get3A_135 : vector<16xf32> to vector<16xf32>
      tpu.vector_store %arg8[%swap3A_136], %swap3A_139 {add = true, strides = array<i32>} : memref<24576xf32, #tpu.memory_space<vmem>>, vector<16xf32>,
      %add3A_140 = arith.constant 48 : i32
      %add3A_141 = arith.addi %mul3A_114, %add3A_140 : i32
      %get3A_142 = arith.index_cast %add3A_141 : i32 to index
      %get3A_143 = tpu.vector_load %arg5[%get3A_142] {strides = array<i32>} : memref<24576xf32, #tpu.memory_space<vmem>>, vector<16xf32>,
      %get3A_144 = vector.shape_cast %get3A_143 : vector<16xf32> to vector<16xf32>
      %swap3A_145 = arith.index_cast %add3A_141 : i32 to index
      %swap3A_146 = tpu.vector_load %arg8[%swap3A_145] {strides = array<i32>} : memref<24576xf32, #tpu.memory_space<vmem>>, vector<16xf32>,
      %swap3A_147 = vector.shape_cast %swap3A_146 : vector<16xf32> to vector<16xf32>
      %swap3A_148 = vector.shape_cast %get3A_144 : vector<16xf32> to vector<16xf32>
      tpu.vector_store %arg8[%swap3A_145], %swap3A_148 {add = true, strides = array<i32>} : memref<24576xf32, #tpu.memory_space<vmem>>, vector<16xf32>,
      %add3A_149 = arith.constant 64 : i32
      %add3A_150 = arith.addi %mul3A_114, %add3A_149 : i32
      %get3A_151 = arith.index_cast %add3A_150 : i32 to index
      %get3A_152 = tpu.vector_load %arg5[%get3A_151] {strides = array<i32>} : memref<24576xf32, #tpu.memory_space<vmem>>, vector<16xf32>,
      %get3A_153 = vector.shape_cast %get3A_152 : vector<16xf32> to vector<16xf32>
      %swap3A_154 = arith.index_cast %add3A_150 : i32 to index
      %swap3A_155 = tpu.vector_load %arg8[%swap3A_154] {strides = array<i32>} : memref<24576xf32, #tpu.memory_space<vmem>>, vector<16xf32>,
      %swap3A_156 = vector.shape_cast %swap3A_155 : vector<16xf32> to vector<16xf32>
      %swap3A_157 = vector.shape_cast %get3A_153 : vector<16xf32> to vector<16xf32>
      tpu.vector_store %arg8[%swap3A_154], %swap3A_157 {add = true, strides = array<i32>} : memref<24576xf32, #tpu.memory_space<vmem>>, vector<16xf32>,
      %add3A_158 = arith.constant 80 : i32
      %add3A_159 = arith.addi %mul3A_114, %add3A_158 : i32
      %get3A_160 = arith.index_cast %add3A_159 : i32 to index
      %get3A_161 = tpu.vector_load %arg5[%get3A_160] {strides = array<i32>} : memref<24576xf32, #tpu.memory_space<vmem>>, vector<16xf32>,
      %get3A_162 = vector.shape_cast %get3A_161 : vector<16xf32> to vector<16xf32>
      %swap3A_163 = arith.index_cast %add3A_159 : i32 to index
      %swap3A_164 = tpu.vector_load %arg8[%swap3A_163] {strides = array<i32>} : memref<24576xf32, #tpu.memory_space<vmem>>, vector<16xf32>,
      %swap3A_165 = vector.shape_cast %swap3A_164 : vector<16xf32> to vector<16xf32>
      %swap3A_166 = vector.shape_cast %get3A_162 : vector<16xf32> to vector<16xf32>
      tpu.vector_store %arg8[%swap3A_163], %swap3A_166 {add = true, strides = array<i32>} : memref<24576xf32, #tpu.memory_space<vmem>>, vector<16xf32>,
      %add3A_167 = arith.constant 96 : i32
      %add3A_168 = arith.addi %mul3A_114, %add3A_167 : i32
      %get3A_169 = arith.index_cast %add3A_168 : i32 to index
      %get3A_170 = tpu.vector_load %arg5[%get3A_169] {strides = array<i32>} : memref<24576xf32, #tpu.memory_space<vmem>>, vector<16xf32>,
      %get3A_171 = vector.shape_cast %get3A_170 : vector<16xf32> to vector<16xf32>
      %swap3A_172 = arith.index_cast %add3A_168 : i32 to index
      %swap3A_173 = tpu.vector_load %arg8[%swap3A_172] {strides = array<i32>} : memref<24576xf32, #tpu.memory_space<vmem>>, vector<16xf32>,
      %swap3A_174 = vector.shape_cast %swap3A_173 : vector<16xf32> to vector<16xf32>
      %swap3A_175 = vector.shape_cast %get3A_171 : vector<16xf32> to vector<16xf32>
      tpu.vector_store %arg8[%swap3A_172], %swap3A_175 {add = true, strides = array<i32>} : memref<24576xf32, #tpu.memory_space<vmem>>, vector<16xf32>,
      %add3A_176 = arith.constant 112 : i32
      %add3A_177 = arith.addi %mul3A_114, %add3A_176 : i32
      %get3A_178 = arith.index_cast %add3A_177 : i32 to index
      %get3A_179 = tpu.vector_load %arg5[%get3A_178] {strides = array<i32>} : memref<24576xf32, #tpu.memory_space<vmem>>, vector<16xf32>,
      %get3A_180 = vector.shape_cast %get3A_179 : vector<16xf32> to vector<16xf32>
      %swap3A_181 = arith.index_cast %add3A_177 : i32 to index
      %swap3A_182 = tpu.vector_load %arg8[%swap3A_181] {strides = array<i32>} : memref<24576xf32, #tpu.memory_space<vmem>>, vector<16xf32>,
      %swap3A_183 = vector.shape_cast %swap3A_182 : vector<16xf32> to vector<16xf32>
      %swap3A_184 = vector.shape_cast %get3A_180 : vector<16xf32> to vector<16xf32>
      tpu.vector_store %arg8[%swap3A_181], %swap3A_184 {add = true, strides = array<i32>} : memref<24576xf32, #tpu.memory_space<vmem>>, vector<16xf32>,
    }
    %scan3A_81 = arith.constant 192 : i32
    %add3A_82 = arith.constant 16384 : i32
    %add3A_83 = arith.addi %add3A_82, %mul3A_2 : i32
    %add3A_84 = arith.constant 0 : i32
    %add3A_85 = arith.addi %add3A_83, %add3A_84 : i32
    %mul3A_86 = arith.constant 768 : i32
    %mul3A_87 = arith.muli %add3A_85, %mul3A_86 : i32
    %dma_start3A_88 = tpu.memref_slice %arg4[%mul3A_87] : memref<25165824xf32, #tpu.memory_space<hbm>> -> memref<24576xf32, #tpu.memory_space<hbm>>
    %dma_start3A_89 = tpu.memref_slice %arg4[%mul3A_87] : memref<25165824xf32, #tpu.memory_space<hbm>> -> memref<24576xf32, #tpu.memory_space<hbm>>
    tpu.enqueue_dma source(%arg8 : memref<24576xf32, #tpu.memory_space<vmem>>) target(%dma_start3A_89 : memref<24576xf32, #tpu.memory_space<hbm>>) target_semaphore(%arg15 : memref<!tpu.dma_semaphore, #tpu.memory_space<semaphore_mem>>)
    %dma_wait3A_90 = tpu.memref_slice %arg2[%mul3A_71] : memref<25165824xf32, #tpu.memory_space<hbm>> -> memref<24576xf32, #tpu.memory_space<hbm>>
    %dma_wait3A_91 = tpu.memref_slice %arg2[%mul3A_71] : memref<25165824xf32, #tpu.memory_space<hbm>> -> memref<24576xf32, #tpu.memory_space<hbm>>
    tpu.wait_dma2 semaphore(%arg10 : memref<!tpu.dma_semaphore, #tpu.memory_space<semaphore_mem>>) src(%dma_wait3A_91 : memref<24576xf32, #tpu.memory_space<hbm>>) dst(%arg6 : memref<24576xf32, #tpu.memory_space<vmem>>)
    %scan3A_92 = arith.constant 0 : i32
    %scan3A_93 = arith.constant 0 : i32
    %scan3A_94 = arith.constant 192 : i32
    %scan3A_95 = arith.addi %scan3A_93, %scan3A_94 : i32
    %scan3A_96 = arith.constant 1 : i32
    scf.for %scan3A_112 = %scan3A_93 to %scan3A_95 step %scan3A_96  : i32 {
      %mul3A_113 = arith.constant 128 : i32
      %mul3A_114 = arith.muli %scan3A_112, %mul3A_113 : i32
      %add3A_115 = arith.constant 0 : i32
      %add3A_116 = arith.addi %mul3A_114, %add3A_115 : i32
      %get3A = arith.index_cast %add3A_116 : i32 to index
      %get3A_117 = tpu.vector_load %arg5[%get3A] {strides = array<i32>} : memref<24576xf32, #tpu.memory_space<vmem>>, vector<16xf32>,
      %get3A_118 = vector.shape_cast %get3A_117 : vector<16xf32> to vector<16xf32>
      %swap3A = arith.index_cast %add3A_116 : i32 to index
      %swap3A_119 = tpu.vector_load %arg6[%swap3A] {strides = array<i32>} : memref<24576xf32, #tpu.memory_space<vmem>>, vector<16xf32>,
      %swap3A_120 = vector.shape_cast %swap3A_119 : vector<16xf32> to vector<16xf32>
      %swap3A_121 = vector.shape_cast %get3A_118 : vector<16xf32> to vector<16xf32>
      tpu.vector_store %arg6[%swap3A], %swap3A_121 {add = true, strides = array<i32>} : memref<24576xf32, #tpu.memory_space<vmem>>, vector<16xf32>,
      %add3A_122 = arith.constant 16 : i32
      %add3A_123 = arith.addi %mul3A_114, %add3A_122 : i32
      %get3A_124 = arith.index_cast %add3A_123 : i32 to index
      %get3A_125 = tpu.vector_load %arg5[%get3A_124] {strides = array<i32>} : memref<24576xf32, #tpu.memory_space<vmem>>, vector<16xf32>,
      %get3A_126 = vector.shape_cast %get3A_125 : vector<16xf32> to vector<16xf32>
      %swap3A_127 = arith.index_cast %add3A_123 : i32 to index
      %swap3A_128 = tpu.vector_load %arg6[%swap3A_127] {strides = array<i32>} : memref<24576xf32, #tpu.memory_space<vmem>>, vector<16xf32>,
      %swap3A_129 = vector.shape_cast %swap3A_128 : vector<16xf32> to vector<16xf32>
      %swap3A_130 = vector.shape_cast %get3A_126 : vector<16xf32> to vector<16xf32>
      tpu.vector_store %arg6[%swap3A_127], %swap3A_130 {add = true, strides = array<i32>} : memref<24576xf32, #tpu.memory_space<vmem>>, vector<16xf32>,
      %add3A_131 = arith.constant 32 : i32
      %add3A_132 = arith.addi %mul3A_114, %add3A_131 : i32
      %get3A_133 = arith.index_cast %add3A_132 : i32 to index
      %get3A_134 = tpu.vector_load %arg5[%get3A_133] {strides = array<i32>} : memref<24576xf32, #tpu.memory_space<vmem>>, vector<16xf32>,
      %get3A_135 = vector.shape_cast %get3A_134 : vector<16xf32> to vector<16xf32>
      %swap3A_136 = arith.index_cast %add3A_132 : i32 to index
      %swap3A_137 = tpu.vector_load %arg6[%swap3A_136] {strides = array<i32>} : memref<24576xf32, #tpu.memory_space<vmem>>, vector<16xf32>,
      %swap3A_138 = vector.shape_cast %swap3A_137 : vector<16xf32> to vector<16xf32>
      %swap3A_139 = vector.shape_cast %get3A_135 : vector<16xf32> to vector<16xf32>
      tpu.vector_store %arg6[%swap3A_136], %swap3A_139 {add = true, strides = array<i32>} : memref<24576xf32, #tpu.memory_space<vmem>>, vector<16xf32>,
      %add3A_140 = arith.constant 48 : i32
      %add3A_141 = arith.addi %mul3A_114, %add3A_140 : i32
      %get3A_142 = arith.index_cast %add3A_141 : i32 to index
      %get3A_143 = tpu.vector_load %arg5[%get3A_142] {strides = array<i32>} : memref<24576xf32, #tpu.memory_space<vmem>>, vector<16xf32>,
      %get3A_144 = vector.shape_cast %get3A_143 : vector<16xf32> to vector<16xf32>
      %swap3A_145 = arith.index_cast %add3A_141 : i32 to index
      %swap3A_146 = tpu.vector_load %arg6[%swap3A_145] {strides = array<i32>} : memref<24576xf32, #tpu.memory_space<vmem>>, vector<16xf32>,
      %swap3A_147 = vector.shape_cast %swap3A_146 : vector<16xf32> to vector<16xf32>
      %swap3A_148 = vector.shape_cast %get3A_144 : vector<16xf32> to vector<16xf32>
      tpu.vector_store %arg6[%swap3A_145], %swap3A_148 {add = true, strides = array<i32>} : memref<24576xf32, #tpu.memory_space<vmem>>, vector<16xf32>,
      %add3A_149 = arith.constant 64 : i32
      %add3A_150 = arith.addi %mul3A_114, %add3A_149 : i32
      %get3A_151 = arith.index_cast %add3A_150 : i32 to index
      %get3A_152 = tpu.vector_load %arg5[%get3A_151] {strides = array<i32>} : memref<24576xf32, #tpu.memory_space<vmem>>, vector<16xf32>,
      %get3A_153 = vector.shape_cast %get3A_152 : vector<16xf32> to vector<16xf32>
      %swap3A_154 = arith.index_cast %add3A_150 : i32 to index
      %swap3A_155 = tpu.vector_load %arg6[%swap3A_154] {strides = array<i32>} : memref<24576xf32, #tpu.memory_space<vmem>>, vector<16xf32>,
      %swap3A_156 = vector.shape_cast %swap3A_155 : vector<16xf32> to vector<16xf32>
      %swap3A_157 = vector.shape_cast %get3A_153 : vector<16xf32> to vector<16xf32>
      tpu.vector_store %arg6[%swap3A_154], %swap3A_157 {add = true, strides = array<i32>} : memref<24576xf32, #tpu.memory_space<vmem>>, vector<16xf32>,
      %add3A_158 = arith.constant 80 : i32
      %add3A_159 = arith.addi %mul3A_114, %add3A_158 : i32
      %get3A_160 = arith.index_cast %add3A_159 : i32 to index
      %get3A_161 = tpu.vector_load %arg5[%get3A_160] {strides = array<i32>} : memref<24576xf32, #tpu.memory_space<vmem>>, vector<16xf32>,
      %get3A_162 = vector.shape_cast %get3A_161 : vector<16xf32> to vector<16xf32>
      %swap3A_163 = arith.index_cast %add3A_159 : i32 to index
      %swap3A_164 = tpu.vector_load %arg6[%swap3A_163] {strides = array<i32>} : memref<24576xf32, #tpu.memory_space<vmem>>, vector<16xf32>,
      %swap3A_165 = vector.shape_cast %swap3A_164 : vector<16xf32> to vector<16xf32>
      %swap3A_166 = vector.shape_cast %get3A_162 : vector<16xf32> to vector<16xf32>
      tpu.vector_store %arg6[%swap3A_163], %swap3A_166 {add = true, strides = array<i32>} : memref<24576xf32, #tpu.memory_space<vmem>>, vector<16xf32>,
      %add3A_167 = arith.constant 96 : i32
      %add3A_168 = arith.addi %mul3A_114, %add3A_167 : i32
      %get3A_169 = arith.index_cast %add3A_168 : i32 to index
      %get3A_170 = tpu.vector_load %arg5[%get3A_169] {strides = array<i32>} : memref<24576xf32, #tpu.memory_space<vmem>>, vector<16xf32>,
      %get3A_171 = vector.shape_cast %get3A_170 : vector<16xf32> to vector<16xf32>
      %swap3A_172 = arith.index_cast %add3A_168 : i32 to index
      %swap3A_173 = tpu.vector_load %arg6[%swap3A_172] {strides = array<i32>} : memref<24576xf32, #tpu.memory_space<vmem>>, vector<16xf32>,
      %swap3A_174 = vector.shape_cast %swap3A_173 : vector<16xf32> to vector<16xf32>
      %swap3A_175 = vector.shape_cast %get3A_171 : vector<16xf32> to vector<16xf32>
      tpu.vector_store %arg6[%swap3A_172], %swap3A_175 {add = true, strides = array<i32>} : memref<24576xf32, #tpu.memory_space<vmem>>, vector<16xf32>,
      %add3A_176 = arith.constant 112 : i32
      %add3A_177 = arith.addi %mul3A_114, %add3A_176 : i32
      %get3A_178 = arith.index_cast %add3A_177 : i32 to index
      %get3A_179 = tpu.vector_load %arg5[%get3A_178] {strides = array<i32>} : memref<24576xf32, #tpu.memory_space<vmem>>, vector<16xf32>,
      %get3A_180 = vector.shape_cast %get3A_179 : vector<16xf32> to vector<16xf32>
      %swap3A_181 = arith.index_cast %add3A_177 : i32 to index
      %swap3A_182 = tpu.vector_load %arg6[%swap3A_181] {strides = array<i32>} : memref<24576xf32, #tpu.memory_space<vmem>>, vector<16xf32>,
      %swap3A_183 = vector.shape_cast %swap3A_182 : vector<16xf32> to vector<16xf32>
      %swap3A_184 = vector.shape_cast %get3A_180 : vector<16xf32> to vector<16xf32>
      tpu.vector_store %arg6[%swap3A_181], %swap3A_184 {add = true, strides = array<i32>} : memref<24576xf32, #tpu.memory_space<vmem>>, vector<16xf32>,
    }
    %scan3A_97 = arith.constant 192 : i32
    %add3A_98 = arith.constant 24576 : i32
    %add3A_99 = arith.addi %add3A_98, %mul3A_2 : i32
    %add3A_100 = arith.constant 0 : i32
    %add3A_101 = arith.addi %add3A_99, %add3A_100 : i32
    %mul3A_102 = arith.constant 768 : i32
    %mul3A_103 = arith.muli %add3A_101, %mul3A_102 : i32
    %dma_start3A_104 = tpu.memref_slice %arg4[%mul3A_103] : memref<25165824xf32, #tpu.memory_space<hbm>> -> memref<24576xf32, #tpu.memory_space<hbm>>
    %dma_start3A_105 = tpu.memref_slice %arg4[%mul3A_103] : memref<25165824xf32, #tpu.memory_space<hbm>> -> memref<24576xf32, #tpu.memory_space<hbm>>
    tpu.enqueue_dma source(%arg6 : memref<24576xf32, #tpu.memory_space<vmem>>) target(%dma_start3A_105 : memref<24576xf32, #tpu.memory_space<hbm>>) target_semaphore(%arg13 : memref<!tpu.dma_semaphore, #tpu.memory_space<semaphore_mem>>)
    %dma_wait3A_106 = tpu.memref_slice %arg4[%mul3A_61] : memref<25165824xf32, #tpu.memory_space<hbm>> -> memref<24576xf32, #tpu.memory_space<hbm>>
    %dma_wait3A_107 = tpu.memref_slice %arg4[%mul3A_61] : memref<25165824xf32, #tpu.memory_space<hbm>> -> memref<24576xf32, #tpu.memory_space<hbm>>
    tpu.wait_dma2 semaphore(%arg14 : memref<!tpu.dma_semaphore, #tpu.memory_space<semaphore_mem>>) src(%arg7 : memref<24576xf32, #tpu.memory_space<vmem>>) dst(%dma_wait3A_107 : memref<24576xf32, #tpu.memory_space<hbm>>)
    %dma_wait3A_108 = tpu.memref_slice %arg4[%mul3A_87] : memref<25165824xf32, #tpu.memory_space<hbm>> -> memref<24576xf32, #tpu.memory_space<hbm>>
    %dma_wait3A_109 = tpu.memref_slice %arg4[%mul3A_87] : memref<25165824xf32, #tpu.memory_space<hbm>> -> memref<24576xf32, #tpu.memory_space<hbm>>
    tpu.wait_dma2 semaphore(%arg15 : memref<!tpu.dma_semaphore, #tpu.memory_space<semaphore_mem>>) src(%arg8 : memref<24576xf32, #tpu.memory_space<vmem>>) dst(%dma_wait3A_109 : memref<24576xf32, #tpu.memory_space<hbm>>)
    %dma_wait3A_110 = tpu.memref_slice %arg4[%mul3A_103] : memref<25165824xf32, #tpu.memory_space<hbm>> -> memref<24576xf32, #tpu.memory_space<hbm>>
    %dma_wait3A_111 = tpu.memref_slice %arg4[%mul3A_103] : memref<25165824xf32, #tpu.memory_space<hbm>> -> memref<24576xf32, #tpu.memory_space<hbm>>
    tpu.wait_dma2 semaphore(%arg13 : memref<!tpu.dma_semaphore, #tpu.memory_space<semaphore_mem>>) src(%arg6 : memref<24576xf32, #tpu.memory_space<vmem>>) dst(%dma_wait3A_111 : memref<24576xf32, #tpu.memory_space<hbm>>)
    return
  }
}

</mosaic_0001>

<sc_bundles>
// kernel: kernel.3.cloned.1.call-start
scs
__scs_entry_jumppad:
0x0: {  	(pc) =	sbr.rel $0x88, $3  }
0x1: {  	(tag) =	ssettag $0x0;
	lr =	simm.s32 $0x1  }
0x2: {  	[smem:$0x3F9F] =	sst lr;
	_ =	strace $0xD0000000  }
0x3: {  	_ = 	snop  }
0x4: {  	_ = 	snop  }
0x5: {  	_ = 	snop  }
0x6: {  	_ = 	snop  }
0x7: {  	_ = 	snop  }
__scs_overlays_trampoline_lowered:
0x8: {  	[smem:$0x3FAE] =	sst s0  }
0x9: {  	[smem:$0x3FAF] =	sst s1  }
0xa: {  	[smem:$0x3FB0] =	sst s2  }
0xb: {  	[smem:$0x3FB1] =	sst s3  }
0xc: {  	[smem:$0x3FB2] =	sst s4  }
0xd: {  	[smem:$0x3FB3] =	sst s5  }
0xe: {  	[smem:$0x3FB4] =	sst s6  }
0xf: {  	[smem:$0x3FB5] =	sst s7  }
0x10: {  	[smem:$0x3FB6] =	sst s8  }
0x11: {  	[smem:$0x3FB7] =	sst s9;
	s0 =	simm.s32 @!p0 $0x0  }
0x12: {  	s1 =	sld [smem:$0x3F9D];
	s0 =	simm.s32 @p0 $0x1  }
0x13: {  	[smem:$0x3FB8] =	sst s0;
	s0 =	simm.s32 @!p1 $0x0  }
0x14: {  	s2 =	sld [smem:$0x3F9C];
	s0 =	simm.s32 @p1 $0x1  }
0x15: {  	[smem:$0x3FB9] =	sst s0;
	s0 =	simm.s32 @!p2 $0x0  }
0x16: {  	s3 =	sld [smem:$0x3FDB];
	s0 =	simm.s32 @p2 $0x1  }
0x17: {  	s4 =	simm.s32 $0x1BF5;
	[smem:$0x3FBB] =	sst s0  }
0x18: {  	s0 =	sld [smem:$0x3F9E];
	_ =	swait.ge [sflag:s4], $0x0  }
0x19: {  	s7 =	sld [smem:$0x3F9F]  }
0x1a: {  	s8 =	sadd.s32 $0xFFFFE003, lr  }
0x1b: {  	s9 =	sadd.s32 $0xFFFFFEF7, lr;
	s5 =	simm.s32 $0xFFFFFFFF;
	p2 =	slt.u32 s8, $0xFFFFF086  }
0x1c: {  	p1 =	slt.u32 s9, $0xF7A;
	s5 =	simm.s32 @!p2 $0x0  }
0x1d: {  	s5 =	simm.s32 @p1 $0x1;
	p0 =	seq.s32 s7, s2  }
0x1e: {  	s7 =	smul.u32 @!p0 $0xF7A, s2;
	p2 =	seq.s32 @!p0 s5, $0x0  }
0x1f: {  	s9 =	smul.u32 $0xF7A, s1;
	s8 =	simm.s32 @!p0 $0x1BF5;
	p2 =	por !p2, p0  }
0x20: {  	[sflag:s8] =	ssyncset.s32 @!p0 $0xFFFFF086;
	s6 =	sadd.s32 @!p0 s3, s7;
	s7 =	simm.s32 @!p0 $0x108  }
0x21: {  	s3 =	sadd.s32 s3, s9;
	s6 =	sadd.s32 @!p0 $0x88, s6;
	s7 =	simm.s32 @p2 $0x1082  }
0x22: {  	[simem:s7], [sflag:s8] =	dma.local @!p0 [hbm:s6], $0xF7A  }
0x23: {  	s9 =	sor.u32 $0xD0000000, s2;
	s6 =	simm.s32 $0x108;
	_ =	swait.ge @!p0 [sflag:s8], $0x0  }
0x24: {  	s3 =	sadd.s32 $0x88, s3;
	s6 =	simm.s32 @!p1 $0x1082;
	[sflag:s4] =	ssyncset.s32 $0xFFFFF086  }
0x25: {  	[simem:s6], [sflag:s4] =	dma.local [hbm:s3], $0xF7A  }
0x26: {  	[smem:$0x3F9F] =	sst s1;
	(tag) =	ssettag s2;
	_ =	strace s9  }
0x27: {  	s1 =	sld [smem:$0x3FAF]  }
0x28: {  	s2 =	sld [smem:$0x3FB0]  }
0x29: {  	s4 =	sld [smem:$0x3FB2]  }
0x2a: {  	p0 =	seq.s32 s5, $0x0;
	s5 =	sld [smem:$0x3FB3]  }
0x2b: {  	s6 =	sld [smem:$0x3FB4]  }
0x2c: {  	s7 =	sld [smem:$0x3FB5]  }
0x2d: {  	s3 =	simm.s32 $0x108;
	s8 =	sld [smem:$0x3FB6]  }
0x2e: {  	s3 =	simm.s32 @!p0 $0x1082;
	s9 =	sld [smem:$0x3FB7]  }
0x2f: {  	lr =	sadd.s32 s0, s3;
	s0 =	sld [smem:$0x3FAE]  }
0x30: {  	s3 =	sld [smem:$0x3FB1]  }
0x31: {  	[smem:$0x3FBA] =	sst s10  }
0x32: {  	s10 =	sld [smem:$0x3FB8];
	_ =	sdelay $0x3  }
0x33: {  	p0 =	seq.s32 s10, $0x1;
	s10 =	sld [smem:$0x3FBA];
	_ =	sdelay $0x3  }
0x34: {  	[smem:$0x3FBA] =	sst s10  }
0x35: {  	s10 =	sld [smem:$0x3FB9];
	_ =	sdelay $0x3  }
0x36: {  	p1 =	seq.s32 s10, $0x1;
	s10 =	sld [smem:$0x3FBA];
	_ =	sdelay $0x3  }
0x37: {  	[smem:$0x3FBA] =	sst s10  }
0x38: {  	s10 =	sld [smem:$0x3FBB]  }
0x39: {  	_ = 	snop;
	(pc) =	sbr.ind lr, $3  }
0x3a: {  	_ = 	snop  }
0x3b: {  	_ = 	snop  }
0x3c: {  	p2 =	seq.s32 s10, $0x1;
	s10 =	sld [smem:$0x3FBA]  }
0x3d: {  	_ =	shalt  }
0x3e: {  	_ =	shalt  }
0x3f: {  	_ =	shalt  }
0x40: {  	_ =	shalt  }
0x41: {  	_ =	shalt  }
0x42: {  	_ =	shalt  }
0x43: {  	_ =	shalt  }
0x44: {  	_ =	shalt  }
0x45: {  	_ =	shalt  }
0x46: {  	_ =	shalt  }
0x47: {  	_ =	shalt  }
0x48: {  	_ =	shalt  }
0x49: {  	_ =	shalt  }
0x4a: {  	_ =	shalt  }
0x4b: {  	_ =	shalt  }
0x4c: {  	_ =	shalt  }
0x4d: {  	_ =	shalt  }
0x4e: {  	_ =	shalt  }
0x4f: {  	_ =	shalt  }
0x50: {  	_ =	shalt  }
0x51: {  	_ =	shalt  }
0x52: {  	_ =	shalt  }
0x53: {  	_ =	shalt  }
0x54: {  	_ =	shalt  }
0x55: {  	_ =	shalt  }
0x56: {  	_ =	shalt  }
0x57: {  	_ =	shalt  }
0x58: {  	_ =	shalt  }
0x59: {  	_ =	shalt  }
0x5a: {  	_ =	shalt  }
0x5b: {  	_ =	shalt  }
0x5c: {  	_ =	shalt  }
0x5d: {  	_ =	shalt  }
0x5e: {  	_ =	shalt  }
0x5f: {  	_ =	shalt  }
0x60: {  	_ =	shalt  }
0x61: {  	_ =	shalt  }
0x62: {  	_ =	shalt  }
0x63: {  	_ =	shalt  }
0x64: {  	_ =	shalt  }
0x65: {  	_ =	shalt  }
0x66: {  	_ =	shalt  }
0x67: {  	_ =	shalt  }
0x68: {  	_ =	shalt  }
0x69: {  	_ =	shalt  }
0x6a: {  	_ =	shalt  }
0x6b: {  	_ =	shalt  }
0x6c: {  	_ =	shalt  }
0x6d: {  	_ =	shalt  }
0x6e: {  	_ =	shalt  }
0x6f: {  	_ =	shalt  }
0x70: {  	_ =	shalt  }
0x71: {  	_ =	shalt  }
0x72: {  	_ =	shalt  }
0x73: {  	_ =	shalt  }
0x74: {  	_ =	shalt  }
0x75: {  	_ =	shalt  }
0x76: {  	_ =	shalt  }
0x77: {  	_ =	shalt  }
0x78: {  	_ =	shalt  }
0x79: {  	_ =	shalt  }
0x7a: {  	_ =	shalt  }
0x7b: {  	_ =	shalt  }
0x7c: {  	_ =	shalt  }
0x7d: {  	_ =	shalt  }
0x7e: {  	_ =	shalt  }
0x7f: {  	_ =	shalt  }
0x80: {  	_ =	shalt  }
0x81: {  	_ =	shalt  }
0x82: {  	_ =	shalt  }
0x83: {  	_ =	shalt  }
0x84: {  	_ =	shalt  }
0x85: {  	_ =	shalt  }
0x86: {  	_ =	shalt  }
0x87: {  	_ =	shalt  }
.Lfunc_end0:
.L_simem_size_0:
called_computation_lowered:
.L_overlay_start_0:
0x88: {  	s2 =	sld [smem:$0x3FD9]  }
0x89: {  	s3 =	sld [smem:$0x3FFE];
	_ =	sdelay $0x1  }
0x8a: {  	s1 =	srdreg.scid  }
0x8b: {  	s0 =	sand.u32 $0x1, s1  }
0x8c: {  	s17 =	sshll.u32 s0, $0xA;
	s2 =	sadd.s32 s3, s2  }
0x8d: {  	s2 =	sadd.s32 s2, s17  }
0x8e: {  	[smem:$0x3FC6] =	sst s2  }
0x8f: {  	_ = 	snop  }
0x90: {  	s2 =	sld [smem:$0x3FD0];
	(tm) =	ssettm $0x1  }
0x91: {  	s18 =	sld [smem:$0x3FFB];
	_ =	sdelay $0x3  }
0x92: {  	_ =	strace s18  }
0x93: {  	s3 =	sld [smem:$0x3FFC];
	_ =	sdelay $0x3  }
0x94: {  	_ =	strace s3  }
0x95: {  	s3 =	sld [smem:$0x3FFD];
	_ =	sdelay $0x3  }
0x96: {  	_ =	strace s3  }
0x97: {  	_ =	strace $0x8FFFFFFF  }
0x98: {  	s19 =	sld [smem:$0x3FDB];
	_ =	sdelay $0x1  }
0x99: {  	s4 =	simm.s32 $_scs_section_size  }
0x9a: {  	s5 =	simm.s32 $_size__tile_overlayer_lowered;
	s6 =	simm.s32 $_tile_overlayer_lowered  }
0x9b: {  	s22 =	simm.s32 $0x1BFF;
	s21 =	sshll.u32 s6, $0x1;
	s3 =	sadd.s32 s4, s19  }
0x9c: {  	s7 =	simm.s32 $0x0;
	s20 =	sshll.u32 s5, $0x1;
	s5 =	sadd.s32 s21, s3  }
0x9d: {  	[timem:s7], [sflag:s22] =	dma.local [hbm:s5], s20  }
0x9e: {  	_ =	swait.ge [sflag:s22], s20  }
0x9f: {  	s4 =	ssub.s32 $0x0, s20;
	[sflag:s22] =	ssyncset.done $0x0  }
0xa0: {  	[sflag:s22] =	ssyncadd.s32 s4;
	_ =	sdelay $0x1  }
0xa1: {  	s23 =	simm.s32 $0x1B8B  }
0xa2: {  	_ =	swait.ge [sflag:s23], $0x1  }
0xa3: {  	[sflag:s23] =	ssyncset.done $0x0  }
0xa4: {  	s25 =	simm.s32 $0x1B8E;
	s24 =	sld [smem:$0x3FFE];
	[sflag:s23] =	ssyncadd.s32 $0xFFFFFFFF  }
0xa5: {  	s26 =	simm.s32 $execute0_lowered;
	[smem:$0x3FD2] =	sst s25  }
0xa6: {  	s5 =	sshll.u32 s26, $0x1;
	_ =	strace $0x80000046;
	[dreg:$0x1] =	wrdreg $0xFFFFFFFF  }
0xa7: {  	s28 =	simm.s32 $_size_execute0_lowered;
	s3 =	sadd.s32 s3, s5;
	[dreg:$0x0] =	wrdreg $0x0  }
0xa8: {  	s5 =	sshll.u32 s28, $0x1;
	[dreg:$0x2] =	wrdreg s3  }
0xa9: {  	[dreg:$0x3] =	wrdreg s5  }
0xaa: {  	[dreg:$0x4] =	wrdreg $0xC0  }
0xab: {  	_ =	task [dreg:s7], $0x5FFFF  }
0xac: {  	[dreg:$0x1] =	wrdreg $0xFFFFFFFF  }
0xad: {  	[dreg:$0x0] =	wrdreg $0x60  }
0xae: {  	[dreg:$0x2] =	wrdreg s2  }
0xaf: {  	[dreg:$0x3] =	wrdreg s24  }
0xb0: {  	[dreg:$0x4] =	wrdreg $0x9  }
0xb1: {  	_ =	task.clear_ibuf [dreg:s7], $0x5FFFF;
	_ =	strace $0x90000046  }
0xb2: {  	s29 =	simm.s32 $0x9;
	_ =	strace $0x80000048  }
0xb3: {  	_ =	swait.ge [sflag:s29], $0x1  }
0xb4: {  	[sflag:s29] =	ssyncadd.s32 $0xFFFFFFFF  }
0xb5: {  	_ =	strace $0x90000048  }
0xb6: {  	_ =	sfence  }
0xb7: {  	s30 =	sld [smem:$0x0];
	_ =	sdelay $0x2  }
0xb8: {  	s31 =	sshll.u32 s1, $0xD;
	s1 =	sshrl.u32 s1, $0x2  }
0xb9: {  	s3 =	sand.u32 $0x4000, s31;
	s1 =	sadd.s32 s1, s30  }
0xba: {  	s0 =	sor.u32 s3, s0;
	s1 =	sshll.u32 s1, $0x11  }
0xbb: {  	s0 =	sor.u32 s1, s0  }
0xbc: {  	s0 =	sadd.s32 $0x8F2B, s0  }
0xbd: {  	[sflag:s0] =	ssyncadd.remote.s32 $0x1  }
0xbe: {  	_ =	sfence.sel $0xFFFF  }
0xbf: {  	[dreg:$0x0] =	wrdreg $0xFFFFFFFF;
	(pc) =	sbr.abs _section_cstart, $3  }
0xc0: {  	[dreg:$0x1] =	wrdreg $0xFFFFFFFF  }
0xc1: {  	_ =	task.clear_ibuf [dreg:s7], $0x2FFFF;
	_ =	strace $0x9FFFFFFF  }
0xc2: {  	(tm) =	ssettm $0x7FFFFFFF  }
0xc3: {  	_ =	shalt  }
tec
execute0_lowered:
.L_overlay_start_1:
0x0: {  	(tag) =	ssettag $0x1  }
0x1: {  	s1 =	srdreg.scid;
	s9 =	rddreg [dreg:$0x0]  }
0x2: {  	s0 =	stileid.u32;
	s4 =	rddreg [dreg:$0x1]  }
0x3: {  	s2 =	simm.s32 $0x0;
	s15 =	simm.s32 $0x2;
	s16 =	simm.s32 $0x1  }
0x4: {  	s17 =	simm.s32 $0x12000;
	s18 =	simm.s32 $0x3;
	s19 =	simm.s32 $0x5  }
0x5: {  	s20 =	simm.s32 $0x4;
	s3 =	sand.u32 $0x1, s1;
	s30 =	sshll.u32 s0, $0x1  }
0x6: {  	s21 =	simm.s32 $0x6;
	s22 =	simm.s32 $0x7;
	s5 =	sor.u32 s3, s30  }
0x7: {  	s23 =	simm.s32 $0x0;
	s1 =	rddreg [dreg:$0x2];
	s6 =	smul.u32 $0x6000, s5  }
0x8: {  	[smem:$0x7FF] =	sst s2;
	s3 =	ssub.s32 $0x2, s3;
	s5 =	smul.u32 $0x30000, s5  }
0x9: {  	s11 =	sadd.s32 $0xC0400, s4;
	_ =	strace $0x80000047;
	s8 =	sshrl.u32 s3, $0x1  }
0xa: {  	s12 =	ssub.s32 s3, s8;
	s7 =	sadd.s32 s6, s4;
	s10 =	sshrl.u32 s5, $0x3  }
0xb: {  	s3 =	sadd.s32 s9, s6;
	s6 =	sadd.s32 s11, s6;
	s12 =	smax.u32 s12, $0x1  }
0xc: {  	s4 =	sadd.s32 $0x400, s7;
	s31 =	sadd.s32 $0xC0000, s10;
	s13 =	sadd.s32 $0x180000, s10  }
0xd: {  	s14 =	sadd.s32 $0x240000, s10;
	s5 =	sadd.s32 s9, s31;
	s7 =	sadd.s32 s9, s13  }
0xe: {  	s8 =	sadd.s32 s11, s31;
	s9 =	sadd.s32 s9, s14;
	s10 =	sadd.s32 s11, s13  }
0xf: {  	s11 =	sadd.s32 s11, s14;
	s13 =	simm.s32 $0x6000;
	s14 =	simm.s32 $0xC000  }
.LBB2_1:
0x10: {  	[tilespmem:s13], [sflag:$0x2] =	stream.linear.gather [hbm4b:s3+s2], $0x6000, $0x38;
	[tilespmem:$0x18000] =	vst v63  }
0x11: {  	_ = 	snop  }
0x12: {  	[tilespmem:s2], [sflag:$0x1] =	stream.linear.gather [hbm4b:s4+s2], $0x6000, $0x38;
	[tilespmem:$0x18000] =	vst v63  }
0x13: {  	_ = 	snop  }
0x14: {  	[tilespmem:s14], [sflag:$0x3] =	stream.linear.gather [hbm4b:s5+s2], $0x6000, $0x38;
	[tilespmem:$0x18000] =	vst v63  }
0x15: {  	_ =	swait.ge [sflag:s15], $0x6000  }
0x16: {  	[sflag:s15] =	ssyncset.done $0x0  }
0x17: {  	[sflag:s15] =	ssyncadd.s32 $0xFFFFA000  }
0x18: {  	_ =	swait.ge [sflag:s16], $0x6000  }
0x19: {  	[sflag:s16] =	ssyncset.done $0x0  }
0x1a: {  	s24 =	simm.s32 $0x0;
	s25 =	simm.s32 $0x200;
	[sflag:s16] =	ssyncadd.s32 $0xFFFFA000  }
.LBB2_2:
0x1b: {  	p0 =	sne.s32 s25, $0x17E00;
	v0 =	vld [tilespmem:s24+$0x70]  }
0x1c: {  	v1 =	vld [tilespmem:s24+$0x0]  }
0x1d: {  	v2 =	vld [tilespmem:s24+$0x10]  }
0x1e: {  	v3 =	vld [tilespmem:s24+$0x20]  }
0x1f: {  	v4 =	vld [tilespmem:s24+$0x30]  }
0x20: {  	[tilespmem:s24+$0x6070] =	vst.add.f32.msk $0xffff, v0  }
0x21: {  	v0 =	vld [tilespmem:s24+$0x40]  }
0x22: {  	v5 =	vld [tilespmem:s24+$0x50]  }
0x23: {  	v6 =	vld [tilespmem:s24+$0x60]  }
0x24: {  	[tilespmem:s24+$0x6000] =	vst.add.f32.msk $0xffff, v1  }
0x25: {  	[tilespmem:s24+$0x6010] =	vst.add.f32.msk $0xffff, v2  }
.Ltmp0:
0x26: {  	[tilespmem:s24+$0x6020] =	vst.add.f32.msk $0xffff, v3;
	(pc) =	sbr.rel @p0 .LBB2_2-.Ltmp0, $4  }
0x27: {  	[tilespmem:s24+$0x6030] =	vst.add.f32.msk $0xffff, v4  }
0x28: {  	[tilespmem:s24+$0x6040] =	vst.add.f32.msk $0xffff, v0  }
0x29: {  	[tilespmem:s24+$0x6050] =	vst.add.f32.msk $0xffff, v5  }
0x2a: {  	[tilespmem:s24+$0x6060] =	vst.add.f32.msk $0xffff, v6;
	s24 =	sshra.s32 s25, $0x2;
	s25 =	sadd.s32 $0x200, s25  }
0x2b: {  	v0 =	vld [tilespmem:s24+$0x70]  }
0x2c: {  	v1 =	vld [tilespmem:s24+$0x0]  }
0x2d: {  	v2 =	vld [tilespmem:s24+$0x10]  }
0x2e: {  	v3 =	vld [tilespmem:s24+$0x20]  }
0x2f: {  	v4 =	vld [tilespmem:s24+$0x30]  }
0x30: {  	v63 =	vld [tilespmem:s24+$0x40]  }
0x31: {  	v5 =	vld [tilespmem:s24+$0x50]  }
0x32: {  	v6 =	vld [tilespmem:s24+$0x60]  }
0x33: {  	[tilespmem:s24+$0x6070] =	vst.add.f32.msk $0xffff, v0  }
0x34: {  	[tilespmem:s24+$0x6000] =	vst.add.f32.msk $0xffff, v1  }
0x35: {  	[tilespmem:s24+$0x6010] =	vst.add.f32.msk $0xffff, v2  }
0x36: {  	[tilespmem:s24+$0x6020] =	vst.add.f32.msk $0xffff, v3  }
0x37: {  	[tilespmem:s24+$0x6030] =	vst.add.f32.msk $0xffff, v4  }
0x38: {  	[tilespmem:s24+$0x6040] =	vst.add.f32.msk $0xffff, v63  }
0x39: {  	[tilespmem:s24+$0x6050] =	vst.add.f32.msk $0xffff, v5  }
0x3a: {  	s31 =	simm.s32 $0x0;
	[tilespmem:s24+$0x6060] =	vst.add.f32.msk $0xffff, v6  }
0x3b: {  	[hbm4b:s6+s31] =	stream.linear.scatter [tilespmem:s13], [sflag:$0x5], $0x6000, $0x38;
	[tilespmem:$0x18000] =	vst v63  }
0x3c: {  	_ = 	snop  }
0x3d: {  	[tilespmem:s17], [sflag:$0x4] =	stream.linear.gather [hbm4b:s7+s31], $0x6000, $0x38;
	[tilespmem:$0x18000] =	vst v63  }
0x3e: {  	_ =	swait.ge [sflag:s18], $0x6000  }
0x3f: {  	[sflag:s18] =	ssyncset.done $0x0  }
0x40: {  	s25 =	simm.s32 $0x200;
	s24 =	simm.s32 $0x0;
	[sflag:s18] =	ssyncadd.s32 $0xFFFFA000  }
.LBB2_4:
0x41: {  	p0 =	sne.s32 s25, $0x17E00;
	v0 =	vld [tilespmem:s24+$0x70]  }
0x42: {  	v1 =	vld [tilespmem:s24+$0x0]  }
0x43: {  	v2 =	vld [tilespmem:s24+$0x10]  }
0x44: {  	v3 =	vld [tilespmem:s24+$0x20]  }
0x45: {  	v4 =	vld [tilespmem:s24+$0x30]  }
0x46: {  	[tilespmem:s24+$0xC070] =	vst.add.f32.msk $0xffff, v0  }
0x47: {  	v0 =	vld [tilespmem:s24+$0x40]  }
0x48: {  	v5 =	vld [tilespmem:s24+$0x50]  }
0x49: {  	v6 =	vld [tilespmem:s24+$0x60]  }
0x4a: {  	[tilespmem:s24+$0xC000] =	vst.add.f32.msk $0xffff, v1  }
0x4b: {  	[tilespmem:s24+$0xC010] =	vst.add.f32.msk $0xffff, v2  }
.Ltmp1:
0x4c: {  	[tilespmem:s24+$0xC020] =	vst.add.f32.msk $0xffff, v3;
	(pc) =	sbr.rel @p0 .LBB2_4-.Ltmp1, $4  }
0x4d: {  	[tilespmem:s24+$0xC030] =	vst.add.f32.msk $0xffff, v4  }
0x4e: {  	[tilespmem:s24+$0xC040] =	vst.add.f32.msk $0xffff, v0  }
0x4f: {  	[tilespmem:s24+$0xC050] =	vst.add.f32.msk $0xffff, v5  }
0x50: {  	[tilespmem:s24+$0xC060] =	vst.add.f32.msk $0xffff, v6;
	s24 =	sshra.s32 s25, $0x2;
	s25 =	sadd.s32 $0x200, s25  }
0x51: {  	v0 =	vld [tilespmem:s24+$0x70]  }
0x52: {  	v1 =	vld [tilespmem:s24+$0x0]  }
0x53: {  	v2 =	vld [tilespmem:s24+$0x10]  }
0x54: {  	v3 =	vld [tilespmem:s24+$0x20]  }
0x55: {  	v4 =	vld [tilespmem:s24+$0x30]  }
0x56: {  	v63 =	vld [tilespmem:s24+$0x40]  }
0x57: {  	v5 =	vld [tilespmem:s24+$0x50]  }
0x58: {  	v6 =	vld [tilespmem:s24+$0x60]  }
0x59: {  	[tilespmem:s24+$0xC070] =	vst.add.f32.msk $0xffff, v0  }
0x5a: {  	[tilespmem:s24+$0xC000] =	vst.add.f32.msk $0xffff, v1  }
0x5b: {  	[tilespmem:s24+$0xC010] =	vst.add.f32.msk $0xffff, v2  }
0x5c: {  	[tilespmem:s24+$0xC020] =	vst.add.f32.msk $0xffff, v3  }
0x5d: {  	[tilespmem:s24+$0xC030] =	vst.add.f32.msk $0xffff, v4  }
0x5e: {  	[tilespmem:s24+$0xC040] =	vst.add.f32.msk $0xffff, v63  }
0x5f: {  	[tilespmem:s24+$0xC050] =	vst.add.f32.msk $0xffff, v5  }
0x60: {  	s31 =	simm.s32 $0x0;
	[tilespmem:s24+$0xC060] =	vst.add.f32.msk $0xffff, v6  }
0x61: {  	[hbm4b:s8+s31] =	stream.linear.scatter [tilespmem:s14], [sflag:$0x6], $0x6000, $0x38;
	[tilespmem:$0x18000] =	vst v63  }
0x62: {  	_ =	swait.ge [sflag:s19], $0x6000  }
0x63: {  	[sflag:s19] =	ssyncset.done $0x0  }
0x64: {  	[sflag:s19] =	ssyncadd.s32 $0xFFFFA000  }
0x65: {  	[tilespmem:s13], [sflag:$0x2] =	stream.linear.gather [hbm4b:s9+s31], $0x6000, $0x38;
	[tilespmem:$0x18000] =	vst v63  }
0x66: {  	_ =	swait.ge [sflag:s20], $0x6000  }
0x67: {  	[sflag:s20] =	ssyncset.done $0x0  }
0x68: {  	s25 =	simm.s32 $0x200;
	s24 =	simm.s32 $0x0;
	[sflag:s20] =	ssyncadd.s32 $0xFFFFA000  }
.LBB2_6:
0x69: {  	p0 =	sne.s32 s25, $0x17E00;
	v0 =	vld [tilespmem:s24+$0x70]  }
0x6a: {  	v1 =	vld [tilespmem:s24+$0x0]  }
0x6b: {  	v2 =	vld [tilespmem:s24+$0x10]  }
0x6c: {  	v3 =	vld [tilespmem:s24+$0x20]  }
0x6d: {  	v4 =	vld [tilespmem:s24+$0x30]  }
0x6e: {  	[tilespmem:s24+$0x12070] =	vst.add.f32.msk $0xffff, v0  }
0x6f: {  	v0 =	vld [tilespmem:s24+$0x40]  }
0x70: {  	v5 =	vld [tilespmem:s24+$0x50]  }
0x71: {  	v6 =	vld [tilespmem:s24+$0x60]  }
0x72: {  	[tilespmem:s24+$0x12000] =	vst.add.f32.msk $0xffff, v1  }
0x73: {  	[tilespmem:s24+$0x12010] =	vst.add.f32.msk $0xffff, v2  }
.Ltmp2:
0x74: {  	[tilespmem:s24+$0x12020] =	vst.add.f32.msk $0xffff, v3;
	(pc) =	sbr.rel @p0 .LBB2_6-.Ltmp2, $4  }
0x75: {  	[tilespmem:s24+$0x12030] =	vst.add.f32.msk $0xffff, v4  }
0x76: {  	[tilespmem:s24+$0x12040] =	vst.add.f32.msk $0xffff, v0  }
0x77: {  	[tilespmem:s24+$0x12050] =	vst.add.f32.msk $0xffff, v5  }
0x78: {  	[tilespmem:s24+$0x12060] =	vst.add.f32.msk $0xffff, v6;
	s24 =	sshra.s32 s25, $0x2;
	s25 =	sadd.s32 $0x200, s25  }
0x79: {  	v0 =	vld [tilespmem:s24+$0x70]  }
0x7a: {  	v1 =	vld [tilespmem:s24+$0x0]  }
0x7b: {  	v2 =	vld [tilespmem:s24+$0x10]  }
0x7c: {  	v3 =	vld [tilespmem:s24+$0x20]  }
0x7d: {  	v4 =	vld [tilespmem:s24+$0x30]  }
0x7e: {  	v63 =	vld [tilespmem:s24+$0x40]  }
0x7f: {  	v5 =	vld [tilespmem:s24+$0x50]  }
0x80: {  	v6 =	vld [tilespmem:s24+$0x60]  }
0x81: {  	[tilespmem:s24+$0x12070] =	vst.add.f32.msk $0xffff, v0  }
0x82: {  	[tilespmem:s24+$0x12000] =	vst.add.f32.msk $0xffff, v1  }
0x83: {  	[tilespmem:s24+$0x12010] =	vst.add.f32.msk $0xffff, v2  }
0x84: {  	[tilespmem:s24+$0x12020] =	vst.add.f32.msk $0xffff, v3  }
0x85: {  	[tilespmem:s24+$0x12030] =	vst.add.f32.msk $0xffff, v4  }
0x86: {  	[tilespmem:s24+$0x12040] =	vst.add.f32.msk $0xffff, v63  }
0x87: {  	[tilespmem:s24+$0x12050] =	vst.add.f32.msk $0xffff, v5  }
0x88: {  	s31 =	simm.s32 $0x0;
	[tilespmem:s24+$0x12060] =	vst.add.f32.msk $0xffff, v6  }
0x89: {  	[hbm4b:s10+s31] =	stream.linear.scatter [tilespmem:s17], [sflag:$0x7], $0x6000, $0x38;
	[tilespmem:$0x18000] =	vst v63  }
0x8a: {  	_ =	swait.ge [sflag:s15], $0x6000  }
0x8b: {  	[sflag:s15] =	ssyncset.done $0x0  }
0x8c: {  	s25 =	simm.s32 $0x200;
	s24 =	simm.s32 $0x0;
	[sflag:s15] =	ssyncadd.s32 $0xFFFFA000  }
.LBB2_8:
0x8d: {  	p0 =	sne.s32 s25, $0x17E00;
	v0 =	vld [tilespmem:s24+$0x70]  }
0x8e: {  	v1 =	vld [tilespmem:s24+$0x0]  }
0x8f: {  	v2 =	vld [tilespmem:s24+$0x10]  }
0x90: {  	v3 =	vld [tilespmem:s24+$0x20]  }
0x91: {  	v4 =	vld [tilespmem:s24+$0x30]  }
0x92: {  	[tilespmem:s24+$0x6070] =	vst.add.f32.msk $0xffff, v0  }
0x93: {  	v0 =	vld [tilespmem:s24+$0x40]  }
0x94: {  	v5 =	vld [tilespmem:s24+$0x50]  }
0x95: {  	v6 =	vld [tilespmem:s24+$0x60]  }
0x96: {  	[tilespmem:s24+$0x6000] =	vst.add.f32.msk $0xffff, v1  }
0x97: {  	[tilespmem:s24+$0x6010] =	vst.add.f32.msk $0xffff, v2  }
.Ltmp3:
0x98: {  	[tilespmem:s24+$0x6020] =	vst.add.f32.msk $0xffff, v3;
	(pc) =	sbr.rel @p0 .LBB2_8-.Ltmp3, $4  }
0x99: {  	[tilespmem:s24+$0x6030] =	vst.add.f32.msk $0xffff, v4  }
0x9a: {  	[tilespmem:s24+$0x6040] =	vst.add.f32.msk $0xffff, v0  }
0x9b: {  	[tilespmem:s24+$0x6050] =	vst.add.f32.msk $0xffff, v5  }
0x9c: {  	[tilespmem:s24+$0x6060] =	vst.add.f32.msk $0xffff, v6;
	s24 =	sshra.s32 s25, $0x2;
	s25 =	sadd.s32 $0x200, s25  }
0x9d: {  	v0 =	vld [tilespmem:s24+$0x70]  }
0x9e: {  	v1 =	vld [tilespmem:s24+$0x0]  }
0x9f: {  	v2 =	vld [tilespmem:s24+$0x10]  }
0xa0: {  	v3 =	vld [tilespmem:s24+$0x20]  }
0xa1: {  	v4 =	vld [tilespmem:s24+$0x30]  }
0xa2: {  	v63 =	vld [tilespmem:s24+$0x40]  }
0xa3: {  	v5 =	vld [tilespmem:s24+$0x50]  }
0xa4: {  	v6 =	vld [tilespmem:s24+$0x60]  }
0xa5: {  	[tilespmem:s24+$0x6070] =	vst.add.f32.msk $0xffff, v0  }
0xa6: {  	[tilespmem:s24+$0x6000] =	vst.add.f32.msk $0xffff, v1  }
0xa7: {  	[tilespmem:s24+$0x6010] =	vst.add.f32.msk $0xffff, v2  }
0xa8: {  	[tilespmem:s24+$0x6020] =	vst.add.f32.msk $0xffff, v3  }
0xa9: {  	[tilespmem:s24+$0x6030] =	vst.add.f32.msk $0xffff, v4  }
0xaa: {  	[tilespmem:s24+$0x6040] =	vst.add.f32.msk $0xffff, v63  }
0xab: {  	[tilespmem:s24+$0x6050] =	vst.add.f32.msk $0xffff, v5  }
0xac: {  	[tilespmem:s24+$0x6060] =	vst.add.f32.msk $0xffff, v6  }
0xad: {  	[hbm4b:s11+s2] =	stream.linear.scatter [tilespmem:s13], [sflag:$0x5], $0x6000, $0x38;
	[tilespmem:$0x18000] =	vst v63  }
0xae: {  	_ =	swait.ge [sflag:s21], $0x6000  }
0xaf: {  	[sflag:s21] =	ssyncset.done $0x0  }
0xb0: {  	s23 =	sadd.s32 $0x1, s23;
	[sflag:s21] =	ssyncadd.s32 $0xFFFFA000  }
0xb1: {  	p0 =	sne.s32 s23, s12;
	_ =	swait.ge [sflag:s22], $0x6000  }
.Ltmp4:
0xb2: {  	[sflag:s22] =	ssyncset.done $0x0;
	(pc) =	sbr.rel @p0 .LBB2_1-.Ltmp4, $4  }
0xb3: {  	[sflag:s22] =	ssyncadd.s32 $0xFFFFA000  }
0xb4: {  	_ =	swait.ge [sflag:s19], $0x6000  }
0xb5: {  	[sflag:s19] =	ssyncset.done $0x0  }
0xb6: {  	[sflag:s19] =	ssyncadd.s32 $0xFFFFA000  }
0xb7: {  	_ =	sfence.sel $0x180000  }
0xb8: {  	[bflag:$0x0] =	sbarrier.arrive $0xFFFF  }
0xb9: {  	p0 =	sne.s32 s0, $0x0;
	_ =	strace $0x90000047  }
0xba: {  	s0 =	sadd.s32 @!p0 $0x100000, s1;
	[bflag:$0x2] =	sbarrier.arrive $0xFFFF  }
0xbb: {  	[sflag:s0] =	ssyncadd.tile.s32 @!p0 $0x1;
	_ =	shalt  }
.Lfunc_end2:
_tile_overlayer_lowered:
.L_overlay_start_2:
0xbc: {  	(tag) =	ssettag $0x2  }
0xbd: {  	s0 =	rddreg [dreg:$0x0];
	s2 =	stileid.u32  }
0xbe: {  	s1 =	rddreg [dreg:$0x1];
	p0 =	sne.s32 s2, $0x0  }
0xbf: {  	s3 =	rddreg [dreg:$0x2];
	[bflag:$0x3] =	sbarrier.arrive $0xFFFF;
	s2 =	simm.s32 @!p0 $0x1C08  }
0xc0: {  	[timem:s3], [sflag:s2] =	dma.local @!p0 [hbm:s0], s1  }
0xc1: {  	s0 =	simm.s32 @!p0 $0x8  }
0xc2: {  	_ =	swait.ge @!p0 [sflag:s0], s1  }
0xc3: {  	s1 =	ssub.s32 @!p0 $0x0, s1;
	[sflag:s0] =	ssyncset.done @!p0 $0x0  }
0xc4: {  	[sflag:s0] =	ssyncadd.s32 @!p0 s1  }
0xc5: {  	[bflag:$0x3] =	sbarrier.arrive $0xFFFF  }
0xc6: {  	_ =	shalt  }

</sc_bundles>
